<compile_context>
chip_gen: v7x
topology: tpu7x:2x2x1
jax: 0.10.2.dev20260603
libtpu: 0.0.44.dev20260713+nightly
codegen_flags: <defaults>
</compile_context>

<pallas_src>
import functools

import jax
import jax.numpy as jnp
from jax import lax
from jax.experimental import pallas as pl
from jax.experimental.pallas import tpu as pltpu
from jax.experimental.pallas import tpu_sc as plsc

_NC = 2
_NS = 16
_NW = _NC * _NS
_CHUNK = 128


@functools.partial(jax.jit, static_argnames=("rows_per_w",))
def _sc_gather(table, idx_flat, *, rows_per_w):
    n_idx = idx_flat.shape[0]
    d = table.shape[1]
    n_chunks = rows_per_w // _CHUNK
    mesh = plsc.VectorSubcoreMesh(core_axis_name="c", subcore_axis_name="s")

    @functools.partial(
        pl.kernel,
        mesh=mesh,
        out_type=jax.ShapeDtypeStruct((n_idx, d), jnp.float32),
        scratch_types=[
            pltpu.VMEM((rows_per_w,), jnp.int32),
            pltpu.VMEM((_CHUNK, d), jnp.float32),
            pltpu.SemaphoreType.DMA,
        ],
    )
    def k(table_hbm, idx_hbm, out_hbm, idx_v, rows_v, sem):
        wid = lax.axis_index("s") * _NC + lax.axis_index("c")
        base = wid * rows_per_w
        pltpu.sync_copy(idx_hbm.at[pl.ds(base, rows_per_w)], idx_v)

        @pl.loop(0, n_chunks)
        def _(i):
            pltpu.async_copy(
                table_hbm.at[idx_v.at[pl.ds(i * _CHUNK, _CHUNK)]], rows_v, sem
            ).wait()
            pltpu.sync_copy(rows_v, out_hbm.at[pl.ds(base + i * _CHUNK, _CHUNK)])

    return k(table, idx_flat)


def kernel(inputs, kernel):
    table = kernel
    ids = inputs.astype(jnp.int32)
    n_rows, s = ids.shape
    d = table.shape[1]
    sp = -(-s // 8) * 8
    v = table.shape[0]
    pad_ids = (
        jnp.arange(n_rows, dtype=jnp.int32)[:, None] * (sp - s)
        + jnp.arange(sp - s, dtype=jnp.int32)[None, :]
    ) % v
    idsp = jnp.concatenate([ids, pad_ids], axis=1)
    n = n_rows * sp
    assert n % (_NW * _CHUNK) == 0
    out = _sc_gather(table, idsp.reshape(-1), rows_per_w=n // _NW)
    return out.reshape(n_rows, sp, d)[:, :s, :]

# --- scband reference (transcript-rebuilt; emitter-appended) ---
"""Pipeline reference for scband-my-word-embedding-87522843559964 (READ-ONLY COPY).

The authoritative reference and input builder live on the scoring server;
editing this copy changes nothing except your own understanding.
"""

import jax, jax.numpy as jnp
import numpy as np


def setup_inputs(seed: int = 0) -> dict:
    key = jax.random.key(seed)
    k_ids, k_kernel = jax.random.split(key)
    ids = jax.random.randint(k_ids, (4096, 50), 0, 300, dtype=jnp.int64 if jax.config.jax_enable_x64 else jnp.int32)
    # glorot_uniform init for kernel of shape (300, 512)
    fan_in, fan_out = 300, 512
    limit = np.sqrt(6.0 / (fan_in + fan_out))
    kernel = jax.random.uniform(k_kernel, (300, 512), minval=-limit, maxval=limit, dtype=jnp.float32)
    return {"inputs": ids, "kernel": kernel}


def reference(inputs, kernel):
    # tf.nn.embedding_lookup(params=kernel, ids=ids) -> gather rows of kernel
    ids = inputs
    return jnp.take(kernel, ids, axis=0)

if __name__ == "__main__":
    import jax
    _d = setup_inputs()
    print(jax.jit(kernel)(*tuple(_d.values())))

</pallas_src>

<mosaic_0001>
#map = affine_map<(d0, d1) -> (0, 0)>
#map1 = affine_map<(d0, d1) -> (0)>
module attributes {stable_mosaic.version = 14 : i64} {
  func.func @k(%arg0: i32, %arg1: i32, %arg2: memref<300x512xf32, #tpu.memory_space<hbm>>, %arg3: memref<229376xi32, #tpu.memory_space<hbm>>, %arg4: memref<229376x512xf32, #tpu.memory_space<hbm>>, %arg5: memref<7168xi32, #tpu.memory_space<vmem>>, %arg6: memref<128x512xf32, #tpu.memory_space<vmem>>, %arg7: memref<!tpu.dma_semaphore, #tpu.memory_space<semaphore_mem>>) attributes {dimension_semantics = [#tpu.dimension_semantics<core_parallel>, #tpu.dimension_semantics<subcore_parallel>], iteration_bounds = array<i64: 2, 16>, scalar_prefetch = 0 : i64, scratch_operands = 3 : i64, tpu.core_type = #tpu.core_type<sc_vector_subcore>, window_params = [{transform_indices = #map}, {transform_indices = #map1}, {transform_indices = #map}]} {
    %mul3A = arith.constant 2 : i32
    %mul3A_0 = arith.muli %arg1, %mul3A : i32
    %add3A = arith.addi %mul3A_0, %arg0 : i32
    %mul3A_1 = arith.constant 7168 : i32
    %mul3A_2 = arith.muli %add3A, %mul3A_1 : i32
    "tpu.region"() ({
      %run_scoped3A = tpu.sem_alloc : memref<!tpu.dma_semaphore, #tpu.memory_space<semaphore_mem>>
      %dma_start3A = tpu.memref_slice %arg3[%mul3A_2] : memref<229376xi32, #tpu.memory_space<hbm>> -> memref<7168xi32, #tpu.memory_space<hbm>>
      %dma_start3A_7 = tpu.memref_slice %arg3[%mul3A_2] : memref<229376xi32, #tpu.memory_space<hbm>> -> memref<7168xi32, #tpu.memory_space<hbm>>
      tpu.enqueue_dma source(%dma_start3A_7 : memref<7168xi32, #tpu.memory_space<hbm>>) target(%arg5 : memref<7168xi32, #tpu.memory_space<vmem>>) target_semaphore(%run_scoped3A : memref<!tpu.dma_semaphore, #tpu.memory_space<semaphore_mem>>)
      %dma_wait3A = tpu.memref_slice %arg3[%mul3A_2] : memref<229376xi32, #tpu.memory_space<hbm>> -> memref<7168xi32, #tpu.memory_space<hbm>>
      %dma_wait3A_8 = tpu.memref_slice %arg3[%mul3A_2] : memref<229376xi32, #tpu.memory_space<hbm>> -> memref<7168xi32, #tpu.memory_space<hbm>>
      tpu.wait_dma2 semaphore(%run_scoped3A : memref<!tpu.dma_semaphore, #tpu.memory_space<semaphore_mem>>) src(%dma_wait3A_8 : memref<7168xi32, #tpu.memory_space<hbm>>) dst(%arg5 : memref<7168xi32, #tpu.memory_space<vmem>>)
      tpu.yield
    }) : () -> ()
    %scan3A = arith.constant 0 : i32
    %scan3A_3 = arith.constant 56 : i32
    %scan3A_4 = arith.addi %scan3A, %scan3A_3 : i32
    %scan3A_5 = arith.constant 1 : i32
    scf.for %scan3A_7 = %scan3A to %scan3A_4 step %scan3A_5  : i32 {
      %mul3A_8 = arith.constant 1 : i32
      %mul3A_9 = arith.muli %scan3A_7, %mul3A_8 : i32
      %add3A_10 = arith.constant 0 : i32
      %add3A_11 = arith.addi %add3A_10, %mul3A_9 : i32
      %mul3A_12 = arith.constant 128 : i32
      %mul3A_13 = arith.muli %add3A_11, %mul3A_12 : i32
      %dma_start3A = tpu.memref_slice %arg5[%mul3A_13] : memref<7168xi32, #tpu.memory_space<vmem>> -> memref<128xi32, #tpu.memory_space<vmem>>
      %dma_start3A_14 = arith.constant 0 : i32
      %dma_start3A_15 = arith.constant 0 : i32
      %dma_start3A_16 = tpu.memref_slice %arg2[%dma_start3A_14, %dma_start3A_15] : memref<300x512xf32, #tpu.memory_space<hbm>> -> memref<300x512xf32, #tpu.memory_space<hbm>>
      tpu.enqueue_indirect_dma source(%dma_start3A_16 : memref<300x512xf32, #tpu.memory_space<hbm>>) target(%arg6 : memref<128x512xf32, #tpu.memory_space<vmem>>) offsets(%dma_start3A : memref<128xi32, #tpu.memory_space<vmem>>) semaphore(%arg7 : memref<!tpu.dma_semaphore, #tpu.memory_space<semaphore_mem>>)
      %dma_wait3A = tpu.memref_slice %arg5[%mul3A_13] : memref<7168xi32, #tpu.memory_space<vmem>> -> memref<128xi32, #tpu.memory_space<vmem>>
      %dma_wait3A_17 = arith.constant 0 : i32
      %dma_wait3A_18 = arith.constant 0 : i32
      %dma_wait3A_19 = tpu.memref_slice %arg2[%dma_wait3A_17, %dma_wait3A_18] : memref<300x512xf32, #tpu.memory_space<hbm>> -> memref<300x512xf32, #tpu.memory_space<hbm>>
      tpu.wait_indirect_dma semaphore(%arg7 : memref<!tpu.dma_semaphore, #tpu.memory_space<semaphore_mem>>) src(%dma_wait3A_19 : memref<300x512xf32, #tpu.memory_space<hbm>>) dst(%arg6 : memref<128x512xf32, #tpu.memory_space<vmem>>)
      %mul3A_20 = arith.constant 128 : i32
      %mul3A_21 = arith.muli %add3A_11, %mul3A_20 : i32
      %add3A_22 = arith.addi %mul3A_2, %mul3A_21 : i32
      "tpu.region"() ({
        %run_scoped3A = tpu.sem_alloc : memref<!tpu.dma_semaphore, #tpu.memory_space<semaphore_mem>>
        %dma_start3A_23 = arith.constant 0 : i32
        %dma_start3A_24 = tpu.memref_slice %arg4[%add3A_22, %dma_start3A_23] : memref<229376x512xf32, #tpu.memory_space<hbm>> -> memref<128x512xf32, #tpu.memory_space<hbm>>
        %dma_start3A_25 = arith.constant 0 : i32
        %dma_start3A_26 = tpu.memref_slice %arg4[%add3A_22, %dma_start3A_25] : memref<229376x512xf32, #tpu.memory_space<hbm>> -> memref<128x512xf32, #tpu.memory_space<hbm>>
        tpu.enqueue_dma source(%arg6 : memref<128x512xf32, #tpu.memory_space<vmem>>) target(%dma_start3A_26 : memref<128x512xf32, #tpu.memory_space<hbm>>) target_semaphore(%run_scoped3A : memref<!tpu.dma_semaphore, #tpu.memory_space<semaphore_mem>>)
        %dma_wait3A_27 = arith.constant 0 : i32
        %dma_wait3A_28 = tpu.memref_slice %arg4[%add3A_22, %dma_wait3A_27] : memref<229376x512xf32, #tpu.memory_space<hbm>> -> memref<128x512xf32, #tpu.memory_space<hbm>>
        %dma_wait3A_29 = arith.constant 0 : i32
        %dma_wait3A_30 = tpu.memref_slice %arg4[%add3A_22, %dma_wait3A_29] : memref<229376x512xf32, #tpu.memory_space<hbm>> -> memref<128x512xf32, #tpu.memory_space<hbm>>
        tpu.wait_dma2 semaphore(%run_scoped3A : memref<!tpu.dma_semaphore, #tpu.memory_space<semaphore_mem>>) src(%arg6 : memref<128x512xf32, #tpu.memory_space<vmem>>) dst(%dma_wait3A_30 : memref<128x512xf32, #tpu.memory_space<hbm>>)
        tpu.yield
      }) : () -> ()
    }
    %scan3A_6 = arith.constant 56 : i32
    return
  }
}

</mosaic_0001>

<sc_bundles>
// kernel: _sc_gather.3.cloned.1.call-start
scs
__scs_entry_jumppad:
0x0: {  	(pc) =	sbr.rel $0x88, $3  }
0x1: {  	(tag) =	ssettag $0x0;
	lr =	simm.s32 $0x1  }
0x2: {  	[smem:$0x3F9F] =	sst lr;
	_ =	strace $0xD0000000  }
0x3: {  	_ = 	snop  }
0x4: {  	_ = 	snop  }
0x5: {  	_ = 	snop  }
0x6: {  	_ = 	snop  }
0x7: {  	_ = 	snop  }
__scs_overlays_trampoline_lowered:
0x8: {  	[smem:$0x3FAE] =	sst s0  }
0x9: {  	[smem:$0x3FAF] =	sst s1  }
0xa: {  	[smem:$0x3FB0] =	sst s2  }
0xb: {  	[smem:$0x3FB1] =	sst s3  }
0xc: {  	[smem:$0x3FB2] =	sst s4  }
0xd: {  	[smem:$0x3FB3] =	sst s5  }
0xe: {  	[smem:$0x3FB4] =	sst s6  }
0xf: {  	[smem:$0x3FB5] =	sst s7  }
0x10: {  	[smem:$0x3FB6] =	sst s8  }
0x11: {  	[smem:$0x3FB7] =	sst s9;
	s0 =	simm.s32 @!p0 $0x0  }
0x12: {  	s1 =	sld [smem:$0x3F9D];
	s0 =	simm.s32 @p0 $0x1  }
0x13: {  	[smem:$0x3FB8] =	sst s0;
	s0 =	simm.s32 @!p1 $0x0  }
0x14: {  	s2 =	sld [smem:$0x3F9C];
	s0 =	simm.s32 @p1 $0x1  }
0x15: {  	[smem:$0x3FB9] =	sst s0;
	s0 =	simm.s32 @!p2 $0x0  }
0x16: {  	s3 =	sld [smem:$0x3FDB];
	s0 =	simm.s32 @p2 $0x1  }
0x17: {  	s4 =	simm.s32 $0x1BF5;
	[smem:$0x3FBB] =	sst s0  }
0x18: {  	s0 =	sld [smem:$0x3F9E];
	_ =	swait.ge [sflag:s4], $0x0  }
0x19: {  	s7 =	sld [smem:$0x3F9F]  }
0x1a: {  	s8 =	sadd.s32 $0xFFFFE003, lr  }
0x1b: {  	s9 =	sadd.s32 $0xFFFFFEF7, lr;
	s5 =	simm.s32 $0xFFFFFFFF;
	p2 =	slt.u32 s8, $0xFFFFF086  }
0x1c: {  	p1 =	slt.u32 s9, $0xF7A;
	s5 =	simm.s32 @!p2 $0x0  }
0x1d: {  	s5 =	simm.s32 @p1 $0x1;
	p0 =	seq.s32 s7, s2  }
0x1e: {  	s7 =	smul.u32 @!p0 $0xF7A, s2;
	p2 =	seq.s32 @!p0 s5, $0x0  }
0x1f: {  	s9 =	smul.u32 $0xF7A, s1;
	s8 =	simm.s32 @!p0 $0x1BF5;
	p2 =	por !p2, p0  }
0x20: {  	[sflag:s8] =	ssyncset.s32 @!p0 $0xFFFFF086;
	s6 =	sadd.s32 @!p0 s3, s7;
	s7 =	simm.s32 @!p0 $0x108  }
0x21: {  	s3 =	sadd.s32 s3, s9;
	s6 =	sadd.s32 @!p0 $0x88, s6;
	s7 =	simm.s32 @p2 $0x1082  }
0x22: {  	[simem:s7], [sflag:s8] =	dma.local @!p0 [hbm:s6], $0xF7A  }
0x23: {  	s9 =	sor.u32 $0xD0000000, s2;
	s6 =	simm.s32 $0x108;
	_ =	swait.ge @!p0 [sflag:s8], $0x0  }
0x24: {  	s3 =	sadd.s32 $0x88, s3;
	s6 =	simm.s32 @!p1 $0x1082;
	[sflag:s4] =	ssyncset.s32 $0xFFFFF086  }
0x25: {  	[simem:s6], [sflag:s4] =	dma.local [hbm:s3], $0xF7A  }
0x26: {  	[smem:$0x3F9F] =	sst s1;
	(tag) =	ssettag s2;
	_ =	strace s9  }
0x27: {  	s1 =	sld [smem:$0x3FAF]  }
0x28: {  	s2 =	sld [smem:$0x3FB0]  }
0x29: {  	s4 =	sld [smem:$0x3FB2]  }
0x2a: {  	p0 =	seq.s32 s5, $0x0;
	s5 =	sld [smem:$0x3FB3]  }
0x2b: {  	s6 =	sld [smem:$0x3FB4]  }
0x2c: {  	s7 =	sld [smem:$0x3FB5]  }
0x2d: {  	s3 =	simm.s32 $0x108;
	s8 =	sld [smem:$0x3FB6]  }
0x2e: {  	s3 =	simm.s32 @!p0 $0x1082;
	s9 =	sld [smem:$0x3FB7]  }
0x2f: {  	lr =	sadd.s32 s0, s3;
	s0 =	sld [smem:$0x3FAE]  }
0x30: {  	s3 =	sld [smem:$0x3FB1]  }
0x31: {  	[smem:$0x3FBA] =	sst s10  }
0x32: {  	s10 =	sld [smem:$0x3FB8];
	_ =	sdelay $0x3  }
0x33: {  	p0 =	seq.s32 s10, $0x1;
	s10 =	sld [smem:$0x3FBA];
	_ =	sdelay $0x3  }
0x34: {  	[smem:$0x3FBA] =	sst s10  }
0x35: {  	s10 =	sld [smem:$0x3FB9];
	_ =	sdelay $0x3  }
0x36: {  	p1 =	seq.s32 s10, $0x1;
	s10 =	sld [smem:$0x3FBA];
	_ =	sdelay $0x3  }
0x37: {  	[smem:$0x3FBA] =	sst s10  }
0x38: {  	s10 =	sld [smem:$0x3FBB]  }
0x39: {  	_ = 	snop;
	(pc) =	sbr.ind lr, $3  }
0x3a: {  	_ = 	snop  }
0x3b: {  	_ = 	snop  }
0x3c: {  	p2 =	seq.s32 s10, $0x1;
	s10 =	sld [smem:$0x3FBA]  }
0x3d: {  	_ =	shalt  }
0x3e: {  	_ =	shalt  }
0x3f: {  	_ =	shalt  }
0x40: {  	_ =	shalt  }
0x41: {  	_ =	shalt  }
0x42: {  	_ =	shalt  }
0x43: {  	_ =	shalt  }
0x44: {  	_ =	shalt  }
0x45: {  	_ =	shalt  }
0x46: {  	_ =	shalt  }
0x47: {  	_ =	shalt  }
0x48: {  	_ =	shalt  }
0x49: {  	_ =	shalt  }
0x4a: {  	_ =	shalt  }
0x4b: {  	_ =	shalt  }
0x4c: {  	_ =	shalt  }
0x4d: {  	_ =	shalt  }
0x4e: {  	_ =	shalt  }
0x4f: {  	_ =	shalt  }
0x50: {  	_ =	shalt  }
0x51: {  	_ =	shalt  }
0x52: {  	_ =	shalt  }
0x53: {  	_ =	shalt  }
0x54: {  	_ =	shalt  }
0x55: {  	_ =	shalt  }
0x56: {  	_ =	shalt  }
0x57: {  	_ =	shalt  }
0x58: {  	_ =	shalt  }
0x59: {  	_ =	shalt  }
0x5a: {  	_ =	shalt  }
0x5b: {  	_ =	shalt  }
0x5c: {  	_ =	shalt  }
0x5d: {  	_ =	shalt  }
0x5e: {  	_ =	shalt  }
0x5f: {  	_ =	shalt  }
0x60: {  	_ =	shalt  }
0x61: {  	_ =	shalt  }
0x62: {  	_ =	shalt  }
0x63: {  	_ =	shalt  }
0x64: {  	_ =	shalt  }
0x65: {  	_ =	shalt  }
0x66: {  	_ =	shalt  }
0x67: {  	_ =	shalt  }
0x68: {  	_ =	shalt  }
0x69: {  	_ =	shalt  }
0x6a: {  	_ =	shalt  }
0x6b: {  	_ =	shalt  }
0x6c: {  	_ =	shalt  }
0x6d: {  	_ =	shalt  }
0x6e: {  	_ =	shalt  }
0x6f: {  	_ =	shalt  }
0x70: {  	_ =	shalt  }
0x71: {  	_ =	shalt  }
0x72: {  	_ =	shalt  }
0x73: {  	_ =	shalt  }
0x74: {  	_ =	shalt  }
0x75: {  	_ =	shalt  }
0x76: {  	_ =	shalt  }
0x77: {  	_ =	shalt  }
0x78: {  	_ =	shalt  }
0x79: {  	_ =	shalt  }
0x7a: {  	_ =	shalt  }
0x7b: {  	_ =	shalt  }
0x7c: {  	_ =	shalt  }
0x7d: {  	_ =	shalt  }
0x7e: {  	_ =	shalt  }
0x7f: {  	_ =	shalt  }
0x80: {  	_ =	shalt  }
0x81: {  	_ =	shalt  }
0x82: {  	_ =	shalt  }
0x83: {  	_ =	shalt  }
0x84: {  	_ =	shalt  }
0x85: {  	_ =	shalt  }
0x86: {  	_ =	shalt  }
0x87: {  	_ =	shalt  }
.Lfunc_end0:
.L_simem_size_0:
called_computation_lowered:
.L_overlay_start_0:
0x88: {  	s2 =	sld [smem:$0x3FD9]  }
0x89: {  	s3 =	sld [smem:$0x3FFE];
	_ =	sdelay $0x1  }
0x8a: {  	s1 =	srdreg.scid  }
0x8b: {  	s0 =	sand.u32 $0x1, s1  }
0x8c: {  	s18 =	sshll.u32 s0, $0xA;
	s2 =	sadd.s32 s3, s2  }
0x8d: {  	s2 =	sadd.s32 s2, s18  }
0x8e: {  	[smem:$0x3FC6] =	sst s2  }
0x8f: {  	_ = 	snop  }
0x90: {  	s2 =	sld [smem:$0x3FC9]  }
0x91: {  	s19 =	sld [smem:$0x3FC8]  }
0x92: {  	s4 =	sld [smem:$0x3FD0];
	(tm) =	ssettm $0x1  }
0x93: {  	s5 =	sld [smem:$0x3FFB];
	_ =	sdelay $0x3  }
0x94: {  	_ =	strace s5  }
0x95: {  	s5 =	sld [smem:$0x3FFC];
	_ =	sdelay $0x3  }
0x96: {  	_ =	strace s5  }
0x97: {  	s5 =	sld [smem:$0x3FFD];
	_ =	sdelay $0x3  }
0x98: {  	_ =	strace s5  }
0x99: {  	_ =	strace $0x8FFFFFFF  }
0x9a: {  	s20 =	sld [smem:$0x3FDB];
	_ =	sdelay $0x1  }
0x9b: {  	s6 =	simm.s32 $_scs_section_size  }
0x9c: {  	s7 =	simm.s32 $_size__tile_overlayer_lowered;
	s8 =	simm.s32 $_tile_overlayer_lowered  }
0x9d: {  	s23 =	simm.s32 $0x1BFF;
	s22 =	sshll.u32 s8, $0x1;
	s5 =	sadd.s32 s6, s20  }
0x9e: {  	s9 =	simm.s32 $0x0;
	s21 =	sshll.u32 s7, $0x1;
	s7 =	sadd.s32 s22, s5  }
0x9f: {  	[timem:s9], [sflag:s23] =	dma.local [hbm:s7], s21  }
0xa0: {  	_ =	swait.ge [sflag:s23], s21  }
0xa1: {  	s6 =	ssub.s32 $0x0, s21;
	[sflag:s23] =	ssyncset.done $0x0  }
0xa2: {  	[sflag:s23] =	ssyncadd.s32 s6;
	_ =	sdelay $0x1  }
0xa3: {  	s24 =	simm.s32 $0x1B8B  }
0xa4: {  	_ =	swait.ge [sflag:s24], $0x1  }
0xa5: {  	[sflag:s24] =	ssyncset.done $0x0  }
0xa6: {  	s25 =	simm.s32 $0x1B8E;
	[sflag:s24] =	ssyncadd.s32 $0xFFFFFFFF  }
0xa7: {  	s26 =	simm.s32 $execute0_lowered;
	[smem:$0x3FD2] =	sst s25  }
0xa8: {  	s6 =	sshll.u32 s26, $0x1;
	_ =	strace $0x80000046;
	[dreg:$0x1] =	wrdreg $0xFFFFFFFF  }
0xa9: {  	s28 =	simm.s32 $_size_execute0_lowered;
	s5 =	sadd.s32 s5, s6;
	[dreg:$0x0] =	wrdreg $0x0  }
0xaa: {  	s6 =	sshll.u32 s28, $0x1;
	[dreg:$0x2] =	wrdreg s5  }
0xab: {  	[dreg:$0x3] =	wrdreg s6  }
0xac: {  	[dreg:$0x4] =	wrdreg $0xC0  }
0xad: {  	_ =	task [dreg:s9], $0x5FFFF  }
0xae: {  	[dreg:$0x1] =	wrdreg $0xFFFFFFFF  }
0xaf: {  	[dreg:$0x0] =	wrdreg $0x60  }
0xb0: {  	[dreg:$0x2] =	wrdreg s2  }
0xb1: {  	[dreg:$0x3] =	wrdreg s19  }
0xb2: {  	[dreg:$0x4] =	wrdreg s4  }
0xb3: {  	[dreg:$0x5] =	wrdreg $0x9  }
0xb4: {  	_ =	task.clear_ibuf [dreg:s9], $0x6FFFF;
	_ =	strace $0x90000046  }
0xb5: {  	s29 =	simm.s32 $0x9;
	_ =	strace $0x80000048  }
0xb6: {  	_ =	swait.ge [sflag:s29], $0x1  }
0xb7: {  	[sflag:s29] =	ssyncadd.s32 $0xFFFFFFFF  }
0xb8: {  	_ =	strace $0x90000048  }
0xb9: {  	_ =	sfence  }
0xba: {  	s30 =	sld [smem:$0x0];
	_ =	sdelay $0x2  }
0xbb: {  	s31 =	sshll.u32 s1, $0xD;
	s1 =	sshrl.u32 s1, $0x2  }
0xbc: {  	s3 =	sand.u32 $0x4000, s31;
	s1 =	sadd.s32 s1, s30  }
0xbd: {  	s0 =	sor.u32 s3, s0;
	s1 =	sshll.u32 s1, $0x11  }
0xbe: {  	s0 =	sor.u32 s1, s0  }
0xbf: {  	s0 =	sadd.s32 $0x8F2B, s0  }
0xc0: {  	[sflag:s0] =	ssyncadd.remote.s32 $0x1  }
0xc1: {  	_ =	sfence.sel $0xFFFF  }
0xc2: {  	[dreg:$0x0] =	wrdreg $0xFFFFFFFF;
	(pc) =	sbr.abs _section_cstart, $3  }
0xc3: {  	[dreg:$0x1] =	wrdreg $0xFFFFFFFF  }
0xc4: {  	_ =	task.clear_ibuf [dreg:s9], $0x2FFFF;
	_ =	strace $0x9FFFFFFF  }
0xc5: {  	(tm) =	ssettm $0x7FFFFFFF  }
tec
execute0_lowered:
.L_overlay_start_1:
0x0: {  	(tag) =	ssettag $0x1  }
0x1: {  	s2 =	rddreg [dreg:$0x0]  }
0x2: {  	s0 =	srdreg.scid;
	s4 =	rddreg [dreg:$0x1]  }
0x3: {  	s7 =	stileid.u32;
	s6 =	rddreg [dreg:$0x2];
	s3 =	simm.s32 $0x0  }
0x4: {  	s13 =	simm.s32 $0x2400;
	s15 =	simm.s32 $0x2C00;
	s17 =	simm.s32 $0x3400  }
0x5: {  	s18 =	simm.s32 $0x3C00;
	s19 =	simm.s32 $0x4400;
	s20 =	simm.s32 $0x4C00  }
0x6: {  	s21 =	simm.s32 $0x5400;
	s22 =	simm.s32 $0x5C00;
	[smem:$0x7FF] =	sst s3  }
0x7: {  	s23 =	simm.s32 $0x6400;
	_ =	strace $0x80000047;
	[dreg:$0x5] =	wrdreg s13  }
0x8: {  	s25 =	simm.s32 $0x6C00;
	s26 =	simm.s32 $0x7400;
	[dreg:$0x6] =	wrdreg s15  }
0x9: {  	s8 =	simm.s32 $0x1C00;
	s9 =	simm.s32 $0x7C00;
	[dreg:$0x7] =	wrdreg s17  }
0xa: {  	s10 =	simm.s32 $0x8400;
	s11 =	simm.s32 $0x8C00;
	[dreg:$0x8] =	wrdreg s18  }
0xb: {  	s12 =	simm.s32 $0x9400;
	s28 =	simm.s32 $0x10C00;
	[dreg:$0x9] =	wrdreg s19  }
0xc: {  	s29 =	simm.s32 $0x11400;
	s30 =	simm.s32 $0x1;
	[dreg:$0xa] =	wrdreg s20  }
0xd: {  	s31 =	simm.s32 $0x0;
	s0 =	sand.u32 $0x1, s0;
	[dreg:$0xb] =	wrdreg s21  }
0xe: {  	s1 =	smul.u32 $0x700000, s7;
	s7 =	sshll.u32 s7, $0x1;
	[dreg:$0xc] =	wrdreg s22  }
0xf: {  	s5 =	smul.u32 $0x380000, s0;
	s14 =	ssub.s32 $0x2, s0;
	[dreg:$0xd] =	wrdreg s23  }
0x10: {  	s0 =	sor.u32 s0, s7;
	s7 =	simm.s32 $0x2;
	[dreg:$0xe] =	wrdreg s25  }
0x11: {  	[dreg:$0xf] =	wrdreg s26;
	s13 =	simm.s32 $0x9C00;
	s15 =	simm.s32 $0xAC00  }
0x12: {  	s17 =	simm.s32 $0xBC00;
	s18 =	simm.s32 $0xC400;
	s19 =	simm.s32 $0xCC00  }
0x13: {  	s20 =	simm.s32 $0xD400;
	s21 =	simm.s32 $0xDC00;
	s22 =	simm.s32 $0xE400  }
0x14: {  	s23 =	simm.s32 $0xEC00;
	s25 =	simm.s32 $0xFC00;
	s0 =	smul.u32 $0x380, s0  }
0x15: {  	s26 =	simm.s32 $0x10400;
	s16 =	sshrl.u32 s14, $0x1;
	s1 =	sadd.s32 s5, s1  }
0x16: {  	s5 =	sadd.s32 $0x100, s2;
	s1 =	sshrl.u32 s1, $0x3;
	s0 =	sadd.s32 s4, s0  }
0x17: {  	v2 =	vlaneseq.u32;
	s1 =	sadd.s32 s1, s6;
	s6 =	ssub.s32 s14, s16;
	[dreg:$0x10] =	wrdreg s0  }
0x18: {  	vm0 =	vmmov $0xffff;
	v1 =	vshrl.u32 v2, $0x3;
	s14 =	simm.s32 $0xA400;
	[dreg:$0x4] =	wrdreg s1;
	s24 =	smax.u32 s6, $0x1  }
0x19: {  	v0 =	vand.u32 $0x7, v2;
	v2 =	vor.u32 $0x8, v2;
	v1 =	vmul.u32 $0x8, v1;
	s16 =	simm.s32 $0xB400;
	[dreg:$0x11] =	wrdreg s24;
	s24 =	simm.s32 $0xF400  }
.LBB2_1:
0x1a: {  	s0 =	rddreg [dreg:$0x10]  }
0x1b: {  	[tilespmem:s3], [sflag:$0x2] =	stream.linear.gather [hbm4b:s0+s3], $0x1C00, $0x38;
	[tilespmem:$0x11C00] =	vst v63  }
0x1c: {  	_ =	swait.ge [sflag:s7], $0x1C00  }
0x1d: {  	[sflag:s7] =	ssyncset.done $0x0  }
0x1e: {  	s1 =	simm.s32 $0x40;
	s0 =	simm.s32 $0x0;
	[sflag:s7] =	ssyncadd.s32 $0xFFFFE400  }
.LBB2_2:
0x1f: {  	v3 =	vld [tilespmem:s1+$0xFFFFFFC0];
	_ =	sdelay $0x4  }
0x20: {  	v4 =	vshll.u32 v3, $0x2  }
0x21: {  	v3 =	vand.u32 $0x7, v3;
	v4 =	vand.u32 $0xFFFFFFE0, v4  }
0x22: {  	v3 =	vor.u32 v3, v4  }
0x23: {  	v4 =	vperm.xlane v3, v0;
	_ =	sdelay $0x1  }
0x24: {  	v4 =	vadd.s32 v1, v4;
	_ =	sdelay $0x1  }
0x25: {  	v3 =	vperm.xlane v3, v2;
	_ =	sdelay $0x1  }
0x26: {  	v3 =	vadd.s32 v1, v3  }
0x27: {  	[tilespmem:s8], [sflag:$0x1] =	stream.indirect_vreg.gather [hbm4b:s2+s3], $0x80, v4, vm0, $0xb8;
	[tilespmem:$0x11C00] =	vst v63  }
0x28: {  	s4 =	rddreg [dreg:$0x5]  }
0x29: {  	[tilespmem:s4], [sflag:$0x1] =	stream.indirect_vreg.gather [hbm4b:s5+s3], $0x80, v4, vm0, $0xb8;
	[tilespmem:$0x11C00] =	vst v63  }
0x2a: {  	s6 =	rddreg [dreg:$0x6]  }
0x2b: {  	[tilespmem:s6], [sflag:$0x1] =	stream.indirect_vreg.gather [hbm4b:s2+s3], $0x80, v3, vm0, $0xb8;
	[tilespmem:$0x11C00] =	vst v63  }
0x2c: {  	s4 =	rddreg [dreg:$0x7]  }
0x2d: {  	[tilespmem:s4], [sflag:$0x1] =	stream.indirect_vreg.gather [hbm4b:s5+s3], $0x80, v3, vm0, $0xb8;
	[tilespmem:$0x11C00] =	vst v63  }
0x2e: {  	v3 =	vld [tilespmem:s1+$0xFFFFFFD0];
	_ =	sdelay $0x4  }
0x2f: {  	v57 =	vshll.u32 v3, $0x2  }
0x30: {  	v3 =	vand.u32 $0x7, v3;
	v4 =	vand.u32 $0xFFFFFFE0, v57  }
0x31: {  	v3 =	vor.u32 v3, v4  }
0x32: {  	v4 =	vperm.xlane v3, v0;
	_ =	sdelay $0x1  }
0x33: {  	v4 =	vadd.s32 v1, v4;
	_ =	sdelay $0x1  }
0x34: {  	v3 =	vperm.xlane v3, v2;
	_ =	sdelay $0x1  }
0x35: {  	s4 =	rddreg [dreg:$0x8];
	v3 =	vadd.s32 v1, v3  }
0x36: {  	[tilespmem:s4], [sflag:$0x1] =	stream.indirect_vreg.gather [hbm4b:s2+s3], $0x80, v4, vm0, $0xb8;
	[tilespmem:$0x11C00] =	vst v63  }
0x37: {  	s6 =	rddreg [dreg:$0x9]  }
0x38: {  	[tilespmem:s6], [sflag:$0x1] =	stream.indirect_vreg.gather [hbm4b:s5+s3], $0x80, v4, vm0, $0xb8;
	[tilespmem:$0x11C00] =	vst v63  }
0x39: {  	s4 =	rddreg [dreg:$0xa]  }
0x3a: {  	[tilespmem:s4], [sflag:$0x1] =	stream.indirect_vreg.gather [hbm4b:s2+s3], $0x80, v3, vm0, $0xb8;
	[tilespmem:$0x11C00] =	vst v63  }
0x3b: {  	s6 =	rddreg [dreg:$0xb]  }
0x3c: {  	[tilespmem:s6], [sflag:$0x1] =	stream.indirect_vreg.gather [hbm4b:s5+s3], $0x80, v3, vm0, $0xb8;
	[tilespmem:$0x11C00] =	vst v63  }
0x3d: {  	v3 =	vld [tilespmem:s1+$0xFFFFFFE0];
	_ =	sdelay $0x4  }
0x3e: {  	v58 =	vshll.u32 v3, $0x2  }
0x3f: {  	v3 =	vand.u32 $0x7, v3;
	v4 =	vand.u32 $0xFFFFFFE0, v58  }
0x40: {  	v3 =	vor.u32 v3, v4  }
0x41: {  	v4 =	vperm.xlane v3, v0;
	_ =	sdelay $0x1  }
0x42: {  	v4 =	vadd.s32 v1, v4;
	_ =	sdelay $0x1  }
0x43: {  	v3 =	vperm.xlane v3, v2;
	_ =	sdelay $0x1  }
0x44: {  	s4 =	rddreg [dreg:$0xc];
	v3 =	vadd.s32 v1, v3  }
0x45: {  	[tilespmem:s4], [sflag:$0x1] =	stream.indirect_vreg.gather [hbm4b:s2+s3], $0x80, v4, vm0, $0xb8;
	[tilespmem:$0x11C00] =	vst v63  }
0x46: {  	s6 =	rddreg [dreg:$0xd]  }
0x47: {  	[tilespmem:s6], [sflag:$0x1] =	stream.indirect_vreg.gather [hbm4b:s5+s3], $0x80, v4, vm0, $0xb8;
	[tilespmem:$0x11C00] =	vst v63  }
0x48: {  	s4 =	rddreg [dreg:$0xe]  }
0x49: {  	[tilespmem:s4], [sflag:$0x1] =	stream.indirect_vreg.gather [hbm4b:s2+s3], $0x80, v3, vm0, $0xb8;
	[tilespmem:$0x11C00] =	vst v63  }
0x4a: {  	s6 =	rddreg [dreg:$0xf]  }
0x4b: {  	[tilespmem:s6], [sflag:$0x1] =	stream.indirect_vreg.gather [hbm4b:s5+s3], $0x80, v3, vm0, $0xb8;
	[tilespmem:$0x11C00] =	vst v63  }
0x4c: {  	v3 =	vld [tilespmem:s1+$0xFFFFFFF0];
	_ =	sdelay $0x4  }
0x4d: {  	v59 =	vshll.u32 v3, $0x2  }
0x4e: {  	v3 =	vand.u32 $0x7, v3;
	v4 =	vand.u32 $0xFFFFFFE0, v59  }
0x4f: {  	v3 =	vor.u32 v3, v4  }
0x50: {  	v4 =	vperm.xlane v3, v0;
	_ =	sdelay $0x1  }
0x51: {  	v4 =	vadd.s32 v1, v4;
	_ =	sdelay $0x1  }
0x52: {  	v3 =	vperm.xlane v3, v2;
	_ =	sdelay $0x1  }
0x53: {  	v3 =	vadd.s32 v1, v3  }
0x54: {  	[tilespmem:s9], [sflag:$0x1] =	stream.indirect_vreg.gather [hbm4b:s2+s3], $0x80, v4, vm0, $0xb8;
	[tilespmem:$0x11C00] =	vst v63  }
0x55: {  	_ = 	snop  }
0x56: {  	[tilespmem:s10], [sflag:$0x1] =	stream.indirect_vreg.gather [hbm4b:s5+s3], $0x80, v4, vm0, $0xb8;
	[tilespmem:$0x11C00] =	vst v63  }
0x57: {  	_ = 	snop  }
0x58: {  	[tilespmem:s11], [sflag:$0x1] =	stream.indirect_vreg.gather [hbm4b:s2+s3], $0x80, v3, vm0, $0xb8;
	[tilespmem:$0x11C00] =	vst v63  }
0x59: {  	_ = 	snop  }
0x5a: {  	[tilespmem:s12], [sflag:$0x1] =	stream.indirect_vreg.gather [hbm4b:s5+s3], $0x80, v3, vm0, $0xb8;
	[tilespmem:$0x11C00] =	vst v63  }
0x5b: {  	v3 =	vld [tilespmem:s1+$0x0];
	_ =	sdelay $0x4  }
0x5c: {  	v60 =	vshll.u32 v3, $0x2  }
0x5d: {  	v3 =	vand.u32 $0x7, v3;
	v4 =	vand.u32 $0xFFFFFFE0, v60  }
0x5e: {  	v3 =	vor.u32 v3, v4  }
0x5f: {  	v4 =	vperm.xlane v3, v0;
	_ =	sdelay $0x1  }
0x60: {  	v4 =	vadd.s32 v1, v4;
	_ =	sdelay $0x1  }
0x61: {  	v3 =	vperm.xlane v3, v2;
	_ =	sdelay $0x1  }
0x62: {  	v3 =	vadd.s32 v1, v3  }
0x63: {  	[tilespmem:s13], [sflag:$0x1] =	stream.indirect_vreg.gather [hbm4b:s2+s3], $0x80, v4, vm0, $0xb8;
	[tilespmem:$0x11C00] =	vst v63  }
0x64: {  	_ = 	snop  }
0x65: {  	[tilespmem:s14], [sflag:$0x1] =	stream.indirect_vreg.gather [hbm4b:s5+s3], $0x80, v4, vm0, $0xb8;
	[tilespmem:$0x11C00] =	vst v63  }
0x66: {  	_ = 	snop  }
0x67: {  	[tilespmem:s15], [sflag:$0x1] =	stream.indirect_vreg.gather [hbm4b:s2+s3], $0x80, v3, vm0, $0xb8;
	[tilespmem:$0x11C00] =	vst v63  }
0x68: {  	_ = 	snop  }
0x69: {  	[tilespmem:s16], [sflag:$0x1] =	stream.indirect_vreg.gather [hbm4b:s5+s3], $0x80, v3, vm0, $0xb8;
	[tilespmem:$0x11C00] =	vst v63  }
0x6a: {  	v3 =	vld [tilespmem:s1+$0x10];
	_ =	sdelay $0x4  }
0x6b: {  	v61 =	vshll.u32 v3, $0x2  }
0x6c: {  	v3 =	vand.u32 $0x7, v3;
	v4 =	vand.u32 $0xFFFFFFE0, v61  }
0x6d: {  	v3 =	vor.u32 v3, v4  }
0x6e: {  	v4 =	vperm.xlane v3, v0;
	_ =	sdelay $0x1  }
0x6f: {  	v4 =	vadd.s32 v1, v4;
	_ =	sdelay $0x1  }
0x70: {  	v3 =	vperm.xlane v3, v2;
	_ =	sdelay $0x1  }
0x71: {  	v3 =	vadd.s32 v1, v3  }
0x72: {  	[tilespmem:s17], [sflag:$0x1] =	stream.indirect_vreg.gather [hbm4b:s2+s3], $0x80, v4, vm0, $0xb8;
	[tilespmem:$0x11C00] =	vst v63  }
0x73: {  	_ = 	snop  }
0x74: {  	[tilespmem:s18], [sflag:$0x1] =	stream.indirect_vreg.gather [hbm4b:s5+s3], $0x80, v4, vm0, $0xb8;
	[tilespmem:$0x11C00] =	vst v63  }
0x75: {  	_ = 	snop  }
0x76: {  	[tilespmem:s19], [sflag:$0x1] =	stream.indirect_vreg.gather [hbm4b:s2+s3], $0x80, v3, vm0, $0xb8;
	[tilespmem:$0x11C00] =	vst v63  }
0x77: {  	_ = 	snop  }
0x78: {  	[tilespmem:s20], [sflag:$0x1] =	stream.indirect_vreg.gather [hbm4b:s5+s3], $0x80, v3, vm0, $0xb8;
	[tilespmem:$0x11C00] =	vst v63  }
0x79: {  	v3 =	vld [tilespmem:s1+$0x20];
	_ =	sdelay $0x4  }
0x7a: {  	v62 =	vshll.u32 v3, $0x2  }
0x7b: {  	v3 =	vand.u32 $0x7, v3;
	v4 =	vand.u32 $0xFFFFFFE0, v62  }
0x7c: {  	v3 =	vor.u32 v3, v4  }
0x7d: {  	v4 =	vperm.xlane v3, v0;
	_ =	sdelay $0x1  }
0x7e: {  	v4 =	vadd.s32 v1, v4;
	_ =	sdelay $0x1  }
0x7f: {  	v3 =	vperm.xlane v3, v2;
	_ =	sdelay $0x1  }
0x80: {  	v3 =	vadd.s32 v1, v3  }
0x81: {  	[tilespmem:s21], [sflag:$0x1] =	stream.indirect_vreg.gather [hbm4b:s2+s3], $0x80, v4, vm0, $0xb8;
	[tilespmem:$0x11C00] =	vst v63  }
0x82: {  	_ = 	snop  }
0x83: {  	[tilespmem:s22], [sflag:$0x1] =	stream.indirect_vreg.gather [hbm4b:s5+s3], $0x80, v4, vm0, $0xb8;
	[tilespmem:$0x11C00] =	vst v63  }
0x84: {  	_ = 	snop  }
0x85: {  	[tilespmem:s23], [sflag:$0x1] =	stream.indirect_vreg.gather [hbm4b:s2+s3], $0x80, v3, vm0, $0xb8;
	[tilespmem:$0x11C00] =	vst v63  }
0x86: {  	_ = 	snop  }
0x87: {  	[tilespmem:s24], [sflag:$0x1] =	stream.indirect_vreg.gather [hbm4b:s5+s3], $0x80, v3, vm0, $0xb8;
	[tilespmem:$0x11C00] =	vst v63  }
0x88: {  	v3 =	vld [tilespmem:s1+$0x30];
	_ =	sdelay $0x4  }
0x89: {  	v63 =	vshll.u32 v3, $0x2  }
0x8a: {  	v3 =	vand.u32 $0x7, v3;
	v4 =	vand.u32 $0xFFFFFFE0, v63  }
0x8b: {  	v3 =	vor.u32 v3, v4  }
0x8c: {  	v4 =	vperm.xlane v3, v0;
	_ =	sdelay $0x1  }
0x8d: {  	v4 =	vadd.s32 v1, v4;
	_ =	sdelay $0x1  }
0x8e: {  	v3 =	vperm.xlane v3, v2;
	_ =	sdelay $0x1  }
0x8f: {  	v3 =	vadd.s32 v1, v3  }
0x90: {  	[tilespmem:s25], [sflag:$0x1] =	stream.indirect_vreg.gather [hbm4b:s2+s3], $0x80, v4, vm0, $0xb8;
	[tilespmem:$0x11C00] =	vst v63  }
0x91: {  	_ = 	snop  }
0x92: {  	[tilespmem:s26], [sflag:$0x1] =	stream.indirect_vreg.gather [hbm4b:s5+s3], $0x80, v4, vm0, $0xb8;
	[tilespmem:$0x11C00] =	vst v63  }
0x93: {  	_ = 	snop  }
0x94: {  	[tilespmem:s28], [sflag:$0x1] =	stream.indirect_vreg.gather [hbm4b:s2+s3], $0x80, v3, vm0, $0xb8;
	[tilespmem:$0x11C00] =	vst v63  }
0x95: {  	_ = 	snop  }
0x96: {  	[tilespmem:s29], [sflag:$0x1] =	stream.indirect_vreg.gather [hbm4b:s5+s3], $0x80, v3, vm0, $0xb8;
	[tilespmem:$0x11C00] =	vst v63  }
0x97: {  	_ =	swait.ge [sflag:s30], $0x10000  }
0x98: {  	p0 =	sne.s32 s0, $0x6E000;
	s6 =	rddreg [dreg:$0x4];
	[sflag:s30] =	ssyncset.done $0x0  }
.Ltmp0:
0x99: {  	[sflag:s30] =	ssyncadd.s32 $0xFFFF0000;
	s4 =	sadd.s32 s0, s6;
	(pc) =	sbr.rel @p0 .LBB2_2-.Ltmp0, $4  }
0x9a: {  	[hbm4b:s4+s3] =	stream.linear.scatter [tilespmem:s8], [sflag:$0x2], $0x10000, $0x38;
	[tilespmem:$0x11C00] =	vst v63  }
0x9b: {  	_ =	swait.ge [sflag:s7], $0x10000  }
0x9c: {  	[sflag:s7] =	ssyncset.done $0x0  }
0x9d: {  	s1 =	sadd.s32 $0x80, s1;
	s0 =	sadd.s32 $0x2000, s0;
	[sflag:s7] =	ssyncadd.s32 $0xFFFF0000  }
0x9e: {  	s31 =	sadd.s32 $0x1, s31;
	s0 =	rddreg [dreg:$0x11]  }
0x9f: {  	p0 =	sne.s32 s31, s0  }
.Ltmp1:
0xa0: {  	_ = 	snop;
	(pc) =	sbr.rel @p0 .LBB2_1-.Ltmp1, $1  }
0xa1: {  	_ =	sdelay $0x3  }
0xa2: {  	_ =	sfence.sel $0x180000  }
0xa3: {  	[bflag:$0x0] =	sbarrier.arrive $0xFFFF  }
0xa4: {  	_ =	strace $0x90000047  }
0xa5: {  	s0 =	stileid.u32;
	[bflag:$0x2] =	sbarrier.arrive $0xFFFF  }
0xa6: {  	p0 =	sne.s32 s0, $0x0;
	s0 =	rddreg [dreg:$0x3]  }
0xa7: {  	s0 =	sadd.s32 @!p0 $0x100000, s0  }
0xa8: {  	[sflag:s0] =	ssyncadd.tile.s32 @!p0 $0x1;
	_ =	shalt  }
.Lfunc_end2:
_tile_overlayer_lowered:
.L_overlay_start_2:
0xa9: {  	(tag) =	ssettag $0x2  }
0xaa: {  	s0 =	rddreg [dreg:$0x0];
	s2 =	stileid.u32  }
0xab: {  	s1 =	rddreg [dreg:$0x1];
	p0 =	sne.s32 s2, $0x0  }
0xac: {  	s3 =	rddreg [dreg:$0x2];
	[bflag:$0x3] =	sbarrier.arrive $0xFFFF;
	s2 =	simm.s32 @!p0 $0x1C02  }
0xad: {  	[timem:s3], [sflag:s2] =	dma.local @!p0 [hbm:s0], s1  }
0xae: {  	s0 =	simm.s32 @!p0 $0x2  }
0xaf: {  	_ =	swait.ge @!p0 [sflag:s0], s1  }
0xb0: {  	s1 =	ssub.s32 @!p0 $0x0, s1;
	[sflag:s0] =	ssyncset.done @!p0 $0x0  }
0xb1: {  	[sflag:s0] =	ssyncadd.s32 @!p0 s1  }
0xb2: {  	[bflag:$0x3] =	sbarrier.arrive $0xFFFF  }
0xb3: {  	_ =	shalt  }

</sc_bundles>
